<compile_context>
chip_gen: v7x
topology: tpu7x:2x2x1
jax: 0.10.2.dev20260603
libtpu: 0.0.44.dev20260713+nightly
codegen_flags: <defaults>
</compile_context>

<pallas_src>
import functools

import jax
import jax.numpy as jnp
from jax import lax
from jax.experimental import pallas as pl
from jax.experimental.pallas import tpu as pltpu
from jax.experimental.pallas import tpu_sc as plsc

_B, _T, _C = 16, 4096, 512
_BLANK = _C - 1
_L = 16
_NCHUNK = _T // _L

_LANES = 128

_RB, _TB = 8, 512


def _argmax_body(x_ref, o_ref):
    bv = x_ref[:, :, 0:_LANES]
    bk = jnp.zeros(bv.shape, jnp.float32)
    for k in range(1, _C // _LANES):
        xk = x_ref[:, :, k * _LANES:(k + 1) * _LANES]
        m = xk > bv
        bv = jnp.where(m, xk, bv)
        bk = jnp.where(m, float(k), bk)
    mx = jnp.max(bv, axis=-1, keepdims=True)
    lane = lax.broadcasted_iota(jnp.int32, (1, 1, _LANES), 2).astype(jnp.float32)
    full = bk * float(_LANES) + lane
    idx = jnp.min(jnp.where(bv == mx, full, float(_C)), axis=-1)
    o_ref[...] = idx.astype(jnp.int32)


def _tc_argmax(y_pred):
    return pl.pallas_call(
        _argmax_body,
        grid=(_B // _RB, _T // _TB),
        in_specs=[pl.BlockSpec((_RB, _TB, _C), lambda i, j: (i, j, 0))],
        out_specs=pl.BlockSpec((_RB, _TB), lambda i, j: (i, j)),
        out_shape=jax.ShapeDtypeStruct((_B, _T), jnp.int32),
        compiler_params=pltpu.CompilerParams(
            dimension_semantics=("parallel", "parallel")),
    )(y_pred)


def _sc_decode(paths):
    nc, ns = 2, 8
    mesh = plsc.VectorSubcoreMesh(core_axis_name="c", subcore_axis_name="s",
                                  num_cores=nc, num_subcores=ns)

    @functools.partial(
        pl.kernel,
        out_type=jax.ShapeDtypeStruct((_B, _T), jnp.int32),
        mesh=mesh,
        compiler_params=pltpu.CompilerParams(needs_layout_passes=False),
        scratch_types=[
            pltpu.VMEM((_T,), jnp.int32),
            pltpu.VMEM((_T,), jnp.int32),
        ],
    )
    def k(paths_hbm, out_hbm, path_v, out_v):
        wid = lax.axis_index("s") * nc + lax.axis_index("c")
        pltpu.sync_copy(paths_hbm.at[wid], path_v)
        lane = lax.broadcasted_iota(jnp.int32, (_L,), 0)

        shift_idx = jnp.maximum(lane - 1, 0)
        last_idx = jnp.full((_L,), _L - 1, jnp.int32)
        neg = jnp.full((_L,), -1, jnp.int32)

        def body(i, carry):
            cnt_vec, last = carry
            out_v[pl.ds(i * _L, _L)] = neg
            v = path_v[pl.ds(i * _L, _L)]
            shifted = v.at[shift_idx].get(mode="promise_in_bounds")
            prev = jnp.where(lane == 0, last, shifted)
            valid = (v != _BLANK) & (v != prev)
            csum = plsc.cumsum(valid.astype(jnp.int32))
            pos = cnt_vec + csum - 1
            plsc.store_scatter(out_v, [pos], v, mask=valid)
            cnt_vec = cnt_vec + plsc.all_reduce_population_count(valid)
            return cnt_vec, v.at[last_idx].get(mode="promise_in_bounds")

        lax.fori_loop(
            0, _NCHUNK, body,
            (jnp.zeros((_L,), jnp.int32), jnp.full((_L,), -1, jnp.int32)),
            unroll=8)
        pltpu.sync_copy(out_v, out_hbm.at[wid])

    return k(paths)


def kernel(y_pred):
    paths = _tc_argmax(y_pred)
    decoded = _sc_decode(paths)
    return decoded.reshape(-1, 1)

# --- scband reference (transcript-rebuilt; emitter-appended) ---
"""Pipeline reference for scband-ctc-decode-83313775608584 (READ-ONLY COPY).

The authoritative reference and input builder live on the scoring server;
editing this copy changes nothing except your own understanding.
"""

import jax, jax.numpy as jnp
import numpy as np

B, T, C = 16, 4096, 512
BLANK = C - 1  # keras/TF ctc_decode uses last class as blank
INPUT_LENGTH = 4096


def setup_inputs(seed: int = 0) -> dict:
    key = jax.random.key(seed)
    logits = jax.random.normal(key, (B, T, C), dtype=jnp.float32)
    # CtcDecode consumes softmax posteriors (y_pred)
    y_pred = jax.nn.softmax(logits, axis=-1)
    return {"y_pred": y_pred}


def _decode_row(path, length):
    # Greedy CTC decode for one sequence: collapse repeats, drop blanks,
    # pad with -1 (matching tf.keras.backend.ctc_decode greedy=True dense output).
    t = jnp.arange(T)
    prev = jnp.concatenate([jnp.full((1,), -1, dtype=path.dtype), path[:-1]])
    valid = (path != BLANK) & (path != prev) & (t < length)
    pos = jnp.cumsum(valid) - 1
    # invalid entries scatter to dummy slot T which is sliced off
    idx = jnp.where(valid, pos, T)
    out = jnp.full((T + 1,), -1, dtype=path.dtype).at[idx].set(path)
    return out[:T]


def reference(y_pred):
    # K.ctc_decode greedy path: argmax over classes (log(y_pred+eps) preserves argmax)
    paths = jnp.argmax(y_pred, axis=-1).astype(jnp.int32)
    lengths = jnp.full((B,), INPUT_LENGTH, dtype=jnp.int32)  # self.input_length reshaped to (-1,)
    decoded = jax.vmap(_decode_row)(paths, lengths)  # [B, T] dense, -1 padded
    # layer does K.reshape(top_k_decoded, (-1, 1))
    return decoded.reshape(-1, 1)

if __name__ == "__main__":
    import jax
    _d = setup_inputs()
    print(jax.jit(kernel)(*tuple(_d.values())))

</pallas_src>

<mosaic_0001>
#map = affine_map<(d0, d1) -> (0, 0)>
module attributes {stable_mosaic.version = 14 : i64} {
  func.func @k(%arg0: i32, %arg1: i32, %arg2: memref<16x4096xi32, #tpu.memory_space<hbm>>, %arg3: memref<16x4096xi32, #tpu.memory_space<hbm>>, %arg4: memref<4096xi32, #tpu.memory_space<vmem>>, %arg5: memref<4096xi32, #tpu.memory_space<vmem>>) attributes {dimension_semantics = [#tpu.dimension_semantics<core_parallel>, #tpu.dimension_semantics<subcore_parallel>], iteration_bounds = array<i64: 2, 8>, scalar_prefetch = 0 : i64, scratch_operands = 2 : i64, tpu.core_type = #tpu.core_type<sc_vector_subcore>, window_params = [{transform_indices = #map}, {transform_indices = #map}]} {
    %mul3A = arith.constant 2 : i32
    %mul3A_0 = arith.muli %arg1, %mul3A : i32
    %add3A = arith.addi %mul3A_0, %arg0 : i32
    "tpu.region"() ({
      %run_scoped3A = tpu.sem_alloc : memref<!tpu.dma_semaphore, #tpu.memory_space<semaphore_mem>>
      %dma_start3A = arith.constant 0 : i32
      %dma_start3A_17 = tpu.memref_slice %arg2[%add3A, %dma_start3A] : memref<16x4096xi32, #tpu.memory_space<hbm>> -> memref<1x4096xi32, #tpu.memory_space<hbm>>
      %dma_start3A_18 = tpu.memref_squeeze %dma_start3A_17 : memref<1x4096xi32, #tpu.memory_space<hbm>> -> memref<4096xi32, #tpu.memory_space<hbm>>
      %dma_start3A_19 = arith.constant 0 : i32
      %dma_start3A_20 = tpu.memref_slice %arg2[%add3A, %dma_start3A_19] : memref<16x4096xi32, #tpu.memory_space<hbm>> -> memref<1x4096xi32, #tpu.memory_space<hbm>>
      %dma_start3A_21 = tpu.memref_squeeze %dma_start3A_20 : memref<1x4096xi32, #tpu.memory_space<hbm>> -> memref<4096xi32, #tpu.memory_space<hbm>>
      tpu.enqueue_dma source(%dma_start3A_21 : memref<4096xi32, #tpu.memory_space<hbm>>) target(%arg4 : memref<4096xi32, #tpu.memory_space<vmem>>) target_semaphore(%run_scoped3A : memref<!tpu.dma_semaphore, #tpu.memory_space<semaphore_mem>>)
      %dma_wait3A = arith.constant 0 : i32
      %dma_wait3A_22 = tpu.memref_slice %arg2[%add3A, %dma_wait3A] : memref<16x4096xi32, #tpu.memory_space<hbm>> -> memref<1x4096xi32, #tpu.memory_space<hbm>>
      %dma_wait3A_23 = tpu.memref_squeeze %dma_wait3A_22 : memref<1x4096xi32, #tpu.memory_space<hbm>> -> memref<4096xi32, #tpu.memory_space<hbm>>
      %dma_wait3A_24 = arith.constant 0 : i32
      %dma_wait3A_25 = tpu.memref_slice %arg2[%add3A, %dma_wait3A_24] : memref<16x4096xi32, #tpu.memory_space<hbm>> -> memref<1x4096xi32, #tpu.memory_space<hbm>>
      %dma_wait3A_26 = tpu.memref_squeeze %dma_wait3A_25 : memref<1x4096xi32, #tpu.memory_space<hbm>> -> memref<4096xi32, #tpu.memory_space<hbm>>
      tpu.wait_dma2 semaphore(%run_scoped3A : memref<!tpu.dma_semaphore, #tpu.memory_space<semaphore_mem>>) src(%dma_wait3A_26 : memref<4096xi32, #tpu.memory_space<hbm>>) dst(%arg4 : memref<4096xi32, #tpu.memory_space<vmem>>)
      tpu.yield
    }) : () -> ()
    %iota3A = tpu.iota {dimensions = array<i32: 0>} : vector<16xi32>
    %sub3A = arith.constant 1 : i32
    %sub3A_1 = vector.broadcast %sub3A : i32 to vector<16xi32>
    %sub3A_2 = arith.subi %iota3A, %sub3A_1 : vector<16xi32>
    %max3A = arith.constant 0 : i32
    %max3A_3 = vector.broadcast %max3A : i32 to vector<16xi32>
    %max3A_4 = arith.maxsi %sub3A_2, %max3A_3 : vector<16xi32>
    %broadcast_in_dim3A = arith.constant 15 : i32
    %broadcast_in_dim3A_5 = vector.broadcast %broadcast_in_dim3A : i32 to vector<16xi32>
    %broadcast_in_dim3A_6 = arith.constant -1 : i32
    %broadcast_in_dim3A_7 = vector.broadcast %broadcast_in_dim3A_6 : i32 to vector<16xi32>
    %broadcast_in_dim3A_8 = arith.constant 0 : i32
    %broadcast_in_dim3A_9 = vector.broadcast %broadcast_in_dim3A_8 : i32 to vector<16xi32>
    %broadcast_in_dim3A_10 = arith.constant -1 : i32
    %broadcast_in_dim3A_11 = vector.broadcast %broadcast_in_dim3A_10 : i32 to vector<16xi32>
    %scan3A = arith.constant 0 : i32
    %scan3A_12 = arith.constant 256 : i32
    %scan3A_13 = arith.addi %scan3A, %scan3A_12 : i32
    %scan3A_14 = arith.constant 8 : i32
    %scan3A_15:2 = scf.for %scan3A_17 = %scan3A to %scan3A_13 step %scan3A_14 iter_args(%scan3A_18 = %broadcast_in_dim3A_9, %scan3A_19 = %broadcast_in_dim3A_11) -> (vector<16xi32>, vector<16xi32>)  : i32 {
      %mul3A_20 = arith.constant 16 : i32
      %mul3A_21 = arith.muli %scan3A_17, %mul3A_20 : i32
      %swap3A = arith.index_cast %mul3A_21 : i32 to index
      %swap3A_22 = tpu.vector_load %arg5[%swap3A] {strides = array<i32>} : memref<4096xi32, #tpu.memory_space<vmem>>, vector<16xi32>,
      tpu.vector_store %arg5[%swap3A], %broadcast_in_dim3A_7 {strides = array<i32>} : memref<4096xi32, #tpu.memory_space<vmem>>, vector<16xi32>,
      %mul3A_23 = arith.constant 16 : i32
      %mul3A_24 = arith.muli %scan3A_17, %mul3A_23 : i32
      %get3A = arith.index_cast %mul3A_24 : i32 to index
      %get3A_25 = tpu.vector_load %arg4[%get3A] {strides = array<i32>} : memref<4096xi32, #tpu.memory_space<vmem>>, vector<16xi32>,
      %lt3A = arith.constant 0 : i32
      %lt3A_26 = vector.broadcast %lt3A : i32 to vector<16xi32>
      %lt3A_27 = arith.cmpi slt, %max3A_4, %lt3A_26 : vector<16xi32>
      %add3A_28 = arith.constant 16 : i32
      %add3A_29 = vector.broadcast %add3A_28 : i32 to vector<16xi32>
      %add3A_30 = arith.addi %max3A_4, %add3A_29 : vector<16xi32>
      %select_n3A = arith.select %lt3A_27, %add3A_30, %max3A_4 : vector<16xi1>, vector<16xi32>
      %broadcast_in_dim3A_31 = vector.shape_cast %select_n3A : vector<16xi32> to vector<16x1xi32>
      %gather3A = vector.shape_cast %broadcast_in_dim3A_31 : vector<16x1xi32> to vector<16xi32>
      %gather3A_32 = tpu.dynamic_gather %get3A_25[%gather3A] in [0] : vector<16xi32>, vector<16xi32> -> vector<16xi32>
      %eq3A = arith.constant 0 : i32
      %eq3A_33 = vector.broadcast %eq3A : i32 to vector<16xi32>
      %eq3A_34 = arith.cmpi eq, %iota3A, %eq3A_33 : vector<16xi32>
      %select_n3A_35 = arith.select %eq3A_34, %scan3A_19, %gather3A_32 : vector<16xi1>, vector<16xi32>
      %ne3A = arith.constant 511 : i32
      %ne3A_36 = vector.broadcast %ne3A : i32 to vector<16xi32>
      %ne3A_37 = arith.cmpi ne, %get3A_25, %ne3A_36 : vector<16xi32>
      %ne3A_38 = arith.cmpi ne, %get3A_25, %select_n3A_35 : vector<16xi32>
      %and3A = arith.andi %ne3A_37, %ne3A_38 : vector<16xi1>
      %convert_element_type3A = arith.extui %and3A : vector<16xi1> to vector<16xi32>
      %broadcast_in_dim3A_39 = arith.constant true
      %broadcast_in_dim3A_40 = vector.broadcast %broadcast_in_dim3A_39 : i1 to vector<16xi1>
      %masked_cumsum3A = tpu.scan <sum>, %convert_element_type3A masked %broadcast_in_dim3A_40 : vector<16xi32>, vector<16xi1> -> vector<16xi32>
      %add3A_41 = arith.addi %scan3A_18, %masked_cumsum3A : vector<16xi32>
      %sub3A_42 = arith.constant 1 : i32
      %sub3A_43 = vector.broadcast %sub3A_42 : i32 to vector<16xi32>
      %sub3A_44 = arith.subi %add3A_41, %sub3A_43 : vector<16xi32>
      tpu.vector_store_idx %arg5[%sub3A_44], %get3A_25 masked %and3A : memref<4096xi32, #tpu.memory_space<vmem>>[vector<16xi32>], vector<16xi32>, vector<16xi1>
      %all_reduce_population_count3A = tpu.all_reduce %and3A {dim = 0 : i64, kind = #tpu.reduction_kind<sum>} : vector<16xi1> -> vector<16xi32>
      %add3A_45 = arith.addi %scan3A_18, %all_reduce_population_count3A : vector<16xi32>
      %lt3A_46 = arith.constant 0 : i32
      %lt3A_47 = vector.broadcast %lt3A_46 : i32 to vector<16xi32>
      %lt3A_48 = arith.cmpi slt, %broadcast_in_dim3A_5, %lt3A_47 : vector<16xi32>
      %add3A_49 = arith.constant 16 : i32
      %add3A_50 = vector.broadcast %add3A_49 : i32 to vector<16xi32>
      %add3A_51 = arith.addi %broadcast_in_dim3A_5, %add3A_50 : vector<16xi32>
      %select_n3A_52 = arith.select %lt3A_48, %add3A_51, %broadcast_in_dim3A_5 : vector<16xi1>, vector<16xi32>
      %broadcast_in_dim3A_53 = vector.shape_cast %select_n3A_52 : vector<16xi32> to vector<16x1xi32>
      %gather3A_54 = vector.shape_cast %broadcast_in_dim3A_53 : vector<16x1xi32> to vector<16xi32>
      %gather3A_55 = tpu.dynamic_gather %get3A_25[%gather3A_54] in [0] : vector<16xi32>, vector<16xi32> -> vector<16xi32>
      %scan3A_56 = arith.constant 1 : i32
      %scan3A_57 = arith.addi %scan3A_17, %scan3A_56 : i32
      %mul3A_58 = arith.constant 16 : i32
      %mul3A_59 = arith.muli %scan3A_57, %mul3A_58 : i32
      %swap3A_60 = arith.index_cast %mul3A_59 : i32 to index
      %swap3A_61 = tpu.vector_load %arg5[%swap3A_60] {strides = array<i32>} : memref<4096xi32, #tpu.memory_space<vmem>>, vector<16xi32>,
      tpu.vector_store %arg5[%swap3A_60], %broadcast_in_dim3A_7 {strides = array<i32>} : memref<4096xi32, #tpu.memory_space<vmem>>, vector<16xi32>,
      %mul3A_62 = arith.constant 16 : i32
      %mul3A_63 = arith.muli %scan3A_57, %mul3A_62 : i32
      %get3A_64 = arith.index_cast %mul3A_63 : i32 to index
      %get3A_65 = tpu.vector_load %arg4[%get3A_64] {strides = array<i32>} : memref<4096xi32, #tpu.memory_space<vmem>>, vector<16xi32>,
      %lt3A_66 = arith.constant 0 : i32
      %lt3A_67 = vector.broadcast %lt3A_66 : i32 to vector<16xi32>
      %lt3A_68 = arith.cmpi slt, %max3A_4, %lt3A_67 : vector<16xi32>
      %add3A_69 = arith.constant 16 : i32
      %add3A_70 = vector.broadcast %add3A_69 : i32 to vector<16xi32>
      %add3A_71 = arith.addi %max3A_4, %add3A_70 : vector<16xi32>
      %select_n3A_72 = arith.select %lt3A_68, %add3A_71, %max3A_4 : vector<16xi1>, vector<16xi32>
      %broadcast_in_dim3A_73 = vector.shape_cast %select_n3A_72 : vector<16xi32> to vector<16x1xi32>
      %gather3A_74 = vector.shape_cast %broadcast_in_dim3A_73 : vector<16x1xi32> to vector<16xi32>
      %gather3A_75 = tpu.dynamic_gather %get3A_65[%gather3A_74] in [0] : vector<16xi32>, vector<16xi32> -> vector<16xi32>
      %eq3A_76 = arith.constant 0 : i32
      %eq3A_77 = vector.broadcast %eq3A_76 : i32 to vector<16xi32>
      %eq3A_78 = arith.cmpi eq, %iota3A, %eq3A_77 : vector<16xi32>
      %select_n3A_79 = arith.select %eq3A_78, %gather3A_55, %gather3A_75 : vector<16xi1>, vector<16xi32>
      %ne3A_80 = arith.constant 511 : i32
      %ne3A_81 = vector.broadcast %ne3A_80 : i32 to vector<16xi32>
      %ne3A_82 = arith.cmpi ne, %get3A_65, %ne3A_81 : vector<16xi32>
      %ne3A_83 = arith.cmpi ne, %get3A_65, %select_n3A_79 : vector<16xi32>
      %and3A_84 = arith.andi %ne3A_82, %ne3A_83 : vector<16xi1>
      %convert_element_type3A_85 = arith.extui %and3A_84 : vector<16xi1> to vector<16xi32>
      %broadcast_in_dim3A_86 = arith.constant true
      %broadcast_in_dim3A_87 = vector.broadcast %broadcast_in_dim3A_86 : i1 to vector<16xi1>
      %masked_cumsum3A_88 = tpu.scan <sum>, %convert_element_type3A_85 masked %broadcast_in_dim3A_87 : vector<16xi32>, vector<16xi1> -> vector<16xi32>
      %add3A_89 = arith.addi %add3A_45, %masked_cumsum3A_88 : vector<16xi32>
      %sub3A_90 = arith.constant 1 : i32
      %sub3A_91 = vector.broadcast %sub3A_90 : i32 to vector<16xi32>
      %sub3A_92 = arith.subi %add3A_89, %sub3A_91 : vector<16xi32>
      tpu.vector_store_idx %arg5[%sub3A_92], %get3A_65 masked %and3A_84 : memref<4096xi32, #tpu.memory_space<vmem>>[vector<16xi32>], vector<16xi32>, vector<16xi1>
      %all_reduce_population_count3A_93 = tpu.all_reduce %and3A_84 {dim = 0 : i64, kind = #tpu.reduction_kind<sum>} : vector<16xi1> -> vector<16xi32>
      %add3A_94 = arith.addi %add3A_45, %all_reduce_population_count3A_93 : vector<16xi32>
      %lt3A_95 = arith.constant 0 : i32
      %lt3A_96 = vector.broadcast %lt3A_95 : i32 to vector<16xi32>
      %lt3A_97 = arith.cmpi slt, %broadcast_in_dim3A_5, %lt3A_96 : vector<16xi32>
      %add3A_98 = arith.constant 16 : i32
      %add3A_99 = vector.broadcast %add3A_98 : i32 to vector<16xi32>
      %add3A_100 = arith.addi %broadcast_in_dim3A_5, %add3A_99 : vector<16xi32>
      %select_n3A_101 = arith.select %lt3A_97, %add3A_100, %broadcast_in_dim3A_5 : vector<16xi1>, vector<16xi32>
      %broadcast_in_dim3A_102 = vector.shape_cast %select_n3A_101 : vector<16xi32> to vector<16x1xi32>
      %gather3A_103 = vector.shape_cast %broadcast_in_dim3A_102 : vector<16x1xi32> to vector<16xi32>
      %gather3A_104 = tpu.dynamic_gather %get3A_65[%gather3A_103] in [0] : vector<16xi32>, vector<16xi32> -> vector<16xi32>
      %scan3A_105 = arith.constant 2 : i32
      %scan3A_106 = arith.addi %scan3A_17, %scan3A_105 : i32
      %mul3A_107 = arith.constant 16 : i32
      %mul3A_108 = arith.muli %scan3A_106, %mul3A_107 : i32
      %swap3A_109 = arith.index_cast %mul3A_108 : i32 to index
      %swap3A_110 = tpu.vector_load %arg5[%swap3A_109] {strides = array<i32>} : memref<4096xi32, #tpu.memory_space<vmem>>, vector<16xi32>,
      tpu.vector_store %arg5[%swap3A_109], %broadcast_in_dim3A_7 {strides = array<i32>} : memref<4096xi32, #tpu.memory_space<vmem>>, vector<16xi32>,
      %mul3A_111 = arith.constant 16 : i32
      %mul3A_112 = arith.muli %scan3A_106, %mul3A_111 : i32
      %get3A_113 = arith.index_cast %mul3A_112 : i32 to index
      %get3A_114 = tpu.vector_load %arg4[%get3A_113] {strides = array<i32>} : memref<4096xi32, #tpu.memory_space<vmem>>, vector<16xi32>,
      %lt3A_115 = arith.constant 0 : i32
      %lt3A_116 = vector.broadcast %lt3A_115 : i32 to vector<16xi32>
      %lt3A_117 = arith.cmpi slt, %max3A_4, %lt3A_116 : vector<16xi32>
      %add3A_118 = arith.constant 16 : i32
      %add3A_119 = vector.broadcast %add3A_118 : i32 to vector<16xi32>
      %add3A_120 = arith.addi %max3A_4, %add3A_119 : vector<16xi32>
      %select_n3A_121 = arith.select %lt3A_117, %add3A_120, %max3A_4 : vector<16xi1>, vector<16xi32>
      %broadcast_in_dim3A_122 = vector.shape_cast %select_n3A_121 : vector<16xi32> to vector<16x1xi32>
      %gather3A_123 = vector.shape_cast %broadcast_in_dim3A_122 : vector<16x1xi32> to vector<16xi32>
      %gather3A_124 = tpu.dynamic_gather %get3A_114[%gather3A_123] in [0] : vector<16xi32>, vector<16xi32> -> vector<16xi32>
      %eq3A_125 = arith.constant 0 : i32
      %eq3A_126 = vector.broadcast %eq3A_125 : i32 to vector<16xi32>
      %eq3A_127 = arith.cmpi eq, %iota3A, %eq3A_126 : vector<16xi32>
      %select_n3A_128 = arith.select %eq3A_127, %gather3A_104, %gather3A_124 : vector<16xi1>, vector<16xi32>
      %ne3A_129 = arith.constant 511 : i32
      %ne3A_130 = vector.broadcast %ne3A_129 : i32 to vector<16xi32>
      %ne3A_131 = arith.cmpi ne, %get3A_114, %ne3A_130 : vector<16xi32>
      %ne3A_132 = arith.cmpi ne, %get3A_114, %select_n3A_128 : vector<16xi32>
      %and3A_133 = arith.andi %ne3A_131, %ne3A_132 : vector<16xi1>
      %convert_element_type3A_134 = arith.extui %and3A_133 : vector<16xi1> to vector<16xi32>
      %broadcast_in_dim3A_135 = arith.constant true
      %broadcast_in_dim3A_136 = vector.broadcast %broadcast_in_dim3A_135 : i1 to vector<16xi1>
      %masked_cumsum3A_137 = tpu.scan <sum>, %convert_element_type3A_134 masked %broadcast_in_dim3A_136 : vector<16xi32>, vector<16xi1> -> vector<16xi32>
      %add3A_138 = arith.addi %add3A_94, %masked_cumsum3A_137 : vector<16xi32>
      %sub3A_139 = arith.constant 1 : i32
      %sub3A_140 = vector.broadcast %sub3A_139 : i32 to vector<16xi32>
      %sub3A_141 = arith.subi %add3A_138, %sub3A_140 : vector<16xi32>
      tpu.vector_store_idx %arg5[%sub3A_141], %get3A_114 masked %and3A_133 : memref<4096xi32, #tpu.memory_space<vmem>>[vector<16xi32>], vector<16xi32>, vector<16xi1>
      %all_reduce_population_count3A_142 = tpu.all_reduce %and3A_133 {dim = 0 : i64, kind = #tpu.reduction_kind<sum>} : vector<16xi1> -> vector<16xi32>
      %add3A_143 = arith.addi %add3A_94, %all_reduce_population_count3A_142 : vector<16xi32>
      %lt3A_144 = arith.constant 0 : i32
      %lt3A_145 = vector.broadcast %lt3A_144 : i32 to vector<16xi32>
      %lt3A_146 = arith.cmpi slt, %broadcast_in_dim3A_5, %lt3A_145 : vector<16xi32>
      %add3A_147 = arith.constant 16 : i32
      %add3A_148 = vector.broadcast %add3A_147 : i32 to vector<16xi32>
      %add3A_149 = arith.addi %broadcast_in_dim3A_5, %add3A_148 : vector<16xi32>
      %select_n3A_150 = arith.select %lt3A_146, %add3A_149, %broadcast_in_dim3A_5 : vector<16xi1>, vector<16xi32>
      %broadcast_in_dim3A_151 = vector.shape_cast %select_n3A_150 : vector<16xi32> to vector<16x1xi32>
      %gather3A_152 = vector.shape_cast %broadcast_in_dim3A_151 : vector<16x1xi32> to vector<16xi32>
      %gather3A_153 = tpu.dynamic_gather %get3A_114[%gather3A_152] in [0] : vector<16xi32>, vector<16xi32> -> vector<16xi32>
      %scan3A_154 = arith.constant 3 : i32
      %scan3A_155 = arith.addi %scan3A_17, %scan3A_154 : i32
      %mul3A_156 = arith.constant 16 : i32
      %mul3A_157 = arith.muli %scan3A_155, %mul3A_156 : i32
      %swap3A_158 = arith.index_cast %mul3A_157 : i32 to index
      %swap3A_159 = tpu.vector_load %arg5[%swap3A_158] {strides = array<i32>} : memref<4096xi32, #tpu.memory_space<vmem>>, vector<16xi32>,
      tpu.vector_store %arg5[%swap3A_158], %broadcast_in_dim3A_7 {strides = array<i32>} : memref<4096xi32, #tpu.memory_space<vmem>>, vector<16xi32>,
      %mul3A_160 = arith.constant 16 : i32
      %mul3A_161 = arith.muli %scan3A_155, %mul3A_160 : i32
      %get3A_162 = arith.index_cast %mul3A_161 : i32 to index
      %get3A_163 = tpu.vector_load %arg4[%get3A_162] {strides = array<i32>} : memref<4096xi32, #tpu.memory_space<vmem>>, vector<16xi32>,
      %lt3A_164 = arith.constant 0 : i32
      %lt3A_165 = vector.broadcast %lt3A_164 : i32 to vector<16xi32>
      %lt3A_166 = arith.cmpi slt, %max3A_4, %lt3A_165 : vector<16xi32>
      %add3A_167 = arith.constant 16 : i32
      %add3A_168 = vector.broadcast %add3A_167 : i32 to vector<16xi32>
      %add3A_169 = arith.addi %max3A_4, %add3A_168 : vector<16xi32>
      %select_n3A_170 = arith.select %lt3A_166, %add3A_169, %max3A_4 : vector<16xi1>, vector<16xi32>
      %broadcast_in_dim3A_171 = vector.shape_cast %select_n3A_170 : vector<16xi32> to vector<16x1xi32>
      %gather3A_172 = vector.shape_cast %broadcast_in_dim3A_171 : vector<16x1xi32> to vector<16xi32>
      %gather3A_173 = tpu.dynamic_gather %get3A_163[%gather3A_172] in [0] : vector<16xi32>, vector<16xi32> -> vector<16xi32>
      %eq3A_174 = arith.constant 0 : i32
      %eq3A_175 = vector.broadcast %eq3A_174 : i32 to vector<16xi32>
      %eq3A_176 = arith.cmpi eq, %iota3A, %eq3A_175 : vector<16xi32>
      %select_n3A_177 = arith.select %eq3A_176, %gather3A_153, %gather3A_173 : vector<16xi1>, vector<16xi32>
      %ne3A_178 = arith.constant 511 : i32
      %ne3A_179 = vector.broadcast %ne3A_178 : i32 to vector<16xi32>
      %ne3A_180 = arith.cmpi ne, %get3A_163, %ne3A_179 : vector<16xi32>
      %ne3A_181 = arith.cmpi ne, %get3A_163, %select_n3A_177 : vector<16xi32>
      %and3A_182 = arith.andi %ne3A_180, %ne3A_181 : vector<16xi1>
      %convert_element_type3A_183 = arith.extui %and3A_182 : vector<16xi1> to vector<16xi32>
      %broadcast_in_dim3A_184 = arith.constant true
      %broadcast_in_dim3A_185 = vector.broadcast %broadcast_in_dim3A_184 : i1 to vector<16xi1>
      %masked_cumsum3A_186 = tpu.scan <sum>, %convert_element_type3A_183 masked %broadcast_in_dim3A_185 : vector<16xi32>, vector<16xi1> -> vector<16xi32>
      %add3A_187 = arith.addi %add3A_143, %masked_cumsum3A_186 : vector<16xi32>
      %sub3A_188 = arith.constant 1 : i32
      %sub3A_189 = vector.broadcast %sub3A_188 : i32 to vector<16xi32>
      %sub3A_190 = arith.subi %add3A_187, %sub3A_189 : vector<16xi32>
      tpu.vector_store_idx %arg5[%sub3A_190], %get3A_163 masked %and3A_182 : memref<4096xi32, #tpu.memory_space<vmem>>[vector<16xi32>], vector<16xi32>, vector<16xi1>
      %all_reduce_population_count3A_191 = tpu.all_reduce %and3A_182 {dim = 0 : i64, kind = #tpu.reduction_kind<sum>} : vector<16xi1> -> vector<16xi32>
      %add3A_192 = arith.addi %add3A_143, %all_reduce_population_count3A_191 : vector<16xi32>
      %lt3A_193 = arith.constant 0 : i32
      %lt3A_194 = vector.broadcast %lt3A_193 : i32 to vector<16xi32>
      %lt3A_195 = arith.cmpi slt, %broadcast_in_dim3A_5, %lt3A_194 : vector<16xi32>
      %add3A_196 = arith.constant 16 : i32
      %add3A_197 = vector.broadcast %add3A_196 : i32 to vector<16xi32>
      %add3A_198 = arith.addi %broadcast_in_dim3A_5, %add3A_197 : vector<16xi32>
      %select_n3A_199 = arith.select %lt3A_195, %add3A_198, %broadcast_in_dim3A_5 : vector<16xi1>, vector<16xi32>
      %broadcast_in_dim3A_200 = vector.shape_cast %select_n3A_199 : vector<16xi32> to vector<16x1xi32>
      %gather3A_201 = vector.shape_cast %broadcast_in_dim3A_200 : vector<16x1xi32> to vector<16xi32>
      %gather3A_202 = tpu.dynamic_gather %get3A_163[%gather3A_201] in [0] : vector<16xi32>, vector<16xi32> -> vector<16xi32>
      %scan3A_203 = arith.constant 4 : i32
      %scan3A_204 = arith.addi %scan3A_17, %scan3A_203 : i32
      %mul3A_205 = arith.constant 16 : i32
      %mul3A_206 = arith.muli %scan3A_204, %mul3A_205 : i32
      %swap3A_207 = arith.index_cast %mul3A_206 : i32 to index
      %swap3A_208 = tpu.vector_load %arg5[%swap3A_207] {strides = array<i32>} : memref<4096xi32, #tpu.memory_space<vmem>>, vector<16xi32>,
      tpu.vector_store %arg5[%swap3A_207], %broadcast_in_dim3A_7 {strides = array<i32>} : memref<4096xi32, #tpu.memory_space<vmem>>, vector<16xi32>,
      %mul3A_209 = arith.constant 16 : i32
      %mul3A_210 = arith.muli %scan3A_204, %mul3A_209 : i32
      %get3A_211 = arith.index_cast %mul3A_210 : i32 to index
      %get3A_212 = tpu.vector_load %arg4[%get3A_211] {strides = array<i32>} : memref<4096xi32, #tpu.memory_space<vmem>>, vector<16xi32>,
      %lt3A_213 = arith.constant 0 : i32
      %lt3A_214 = vector.broadcast %lt3A_213 : i32 to vector<16xi32>
      %lt3A_215 = arith.cmpi slt, %max3A_4, %lt3A_214 : vector<16xi32>
      %add3A_216 = arith.constant 16 : i32
      %add3A_217 = vector.broadcast %add3A_216 : i32 to vector<16xi32>
      %add3A_218 = arith.addi %max3A_4, %add3A_217 : vector<16xi32>
      %select_n3A_219 = arith.select %lt3A_215, %add3A_218, %max3A_4 : vector<16xi1>, vector<16xi32>
      %broadcast_in_dim3A_220 = vector.shape_cast %select_n3A_219 : vector<16xi32> to vector<16x1xi32>
      %gather3A_221 = vector.shape_cast %broadcast_in_dim3A_220 : vector<16x1xi32> to vector<16xi32>
      %gather3A_222 = tpu.dynamic_gather %get3A_212[%gather3A_221] in [0] : vector<16xi32>, vector<16xi32> -> vector<16xi32>
      %eq3A_223 = arith.constant 0 : i32
      %eq3A_224 = vector.broadcast %eq3A_223 : i32 to vector<16xi32>
      %eq3A_225 = arith.cmpi eq, %iota3A, %eq3A_224 : vector<16xi32>
      %select_n3A_226 = arith.select %eq3A_225, %gather3A_202, %gather3A_222 : vector<16xi1>, vector<16xi32>
      %ne3A_227 = arith.constant 511 : i32
      %ne3A_228 = vector.broadcast %ne3A_227 : i32 to vector<16xi32>
      %ne3A_229 = arith.cmpi ne, %get3A_212, %ne3A_228 : vector<16xi32>
      %ne3A_230 = arith.cmpi ne, %get3A_212, %select_n3A_226 : vector<16xi32>
      %and3A_231 = arith.andi %ne3A_229, %ne3A_230 : vector<16xi1>
      %convert_element_type3A_232 = arith.extui %and3A_231 : vector<16xi1> to vector<16xi32>
      %broadcast_in_dim3A_233 = arith.constant true
      %broadcast_in_dim3A_234 = vector.broadcast %broadcast_in_dim3A_233 : i1 to vector<16xi1>
      %masked_cumsum3A_235 = tpu.scan <sum>, %convert_element_type3A_232 masked %broadcast_in_dim3A_234 : vector<16xi32>, vector<16xi1> -> vector<16xi32>
      %add3A_236 = arith.addi %add3A_192, %masked_cumsum3A_235 : vector<16xi32>
      %sub3A_237 = arith.constant 1 : i32
      %sub3A_238 = vector.broadcast %sub3A_237 : i32 to vector<16xi32>
      %sub3A_239 = arith.subi %add3A_236, %sub3A_238 : vector<16xi32>
      tpu.vector_store_idx %arg5[%sub3A_239], %get3A_212 masked %and3A_231 : memref<4096xi32, #tpu.memory_space<vmem>>[vector<16xi32>], vector<16xi32>, vector<16xi1>
      %all_reduce_population_count3A_240 = tpu.all_reduce %and3A_231 {dim = 0 : i64, kind = #tpu.reduction_kind<sum>} : vector<16xi1> -> vector<16xi32>
      %add3A_241 = arith.addi %add3A_192, %all_reduce_population_count3A_240 : vector<16xi32>
      %lt3A_242 = arith.constant 0 : i32
      %lt3A_243 = vector.broadcast %lt3A_242 : i32 to vector<16xi32>
      %lt3A_244 = arith.cmpi slt, %broadcast_in_dim3A_5, %lt3A_243 : vector<16xi32>
      %add3A_245 = arith.constant 16 : i32
      %add3A_246 = vector.broadcast %add3A_245 : i32 to vector<16xi32>
      %add3A_247 = arith.addi %broadcast_in_dim3A_5, %add3A_246 : vector<16xi32>
      %select_n3A_248 = arith.select %lt3A_244, %add3A_247, %broadcast_in_dim3A_5 : vector<16xi1>, vector<16xi32>
      %broadcast_in_dim3A_249 = vector.shape_cast %select_n3A_248 : vector<16xi32> to vector<16x1xi32>
      %gather3A_250 = vector.shape_cast %broadcast_in_dim3A_249 : vector<16x1xi32> to vector<16xi32>
      %gather3A_251 = tpu.dynamic_gather %get3A_212[%gather3A_250] in [0] : vector<16xi32>, vector<16xi32> -> vector<16xi32>
      %scan3A_252 = arith.constant 5 : i32
      %scan3A_253 = arith.addi %scan3A_17, %scan3A_252 : i32
      %mul3A_254 = arith.constant 16 : i32
      %mul3A_255 = arith.muli %scan3A_253, %mul3A_254 : i32
      %swap3A_256 = arith.index_cast %mul3A_255 : i32 to index
      %swap3A_257 = tpu.vector_load %arg5[%swap3A_256] {strides = array<i32>} : memref<4096xi32, #tpu.memory_space<vmem>>, vector<16xi32>,
      tpu.vector_store %arg5[%swap3A_256], %broadcast_in_dim3A_7 {strides = array<i32>} : memref<4096xi32, #tpu.memory_space<vmem>>, vector<16xi32>,
      %mul3A_258 = arith.constant 16 : i32
      %mul3A_259 = arith.muli %scan3A_253, %mul3A_258 : i32
      %get3A_260 = arith.index_cast %mul3A_259 : i32 to index
      %get3A_261 = tpu.vector_load %arg4[%get3A_260] {strides = array<i32>} : memref<4096xi32, #tpu.memory_space<vmem>>, vector<16xi32>,
      %lt3A_262 = arith.constant 0 : i32
      %lt3A_263 = vector.broadcast %lt3A_262 : i32 to vector<16xi32>
      %lt3A_264 = arith.cmpi slt, %max3A_4, %lt3A_263 : vector<16xi32>
      %add3A_265 = arith.constant 16 : i32
      %add3A_266 = vector.broadcast %add3A_265 : i32 to vector<16xi32>
      %add3A_267 = arith.addi %max3A_4, %add3A_266 : vector<16xi32>
      %select_n3A_268 = arith.select %lt3A_264, %add3A_267, %max3A_4 : vector<16xi1>, vector<16xi32>
      %broadcast_in_dim3A_269 = vector.shape_cast %select_n3A_268 : vector<16xi32> to vector<16x1xi32>
      %gather3A_270 = vector.shape_cast %broadcast_in_dim3A_269 : vector<16x1xi32> to vector<16xi32>
      %gather3A_271 = tpu.dynamic_gather %get3A_261[%gather3A_270] in [0] : vector<16xi32>, vector<16xi32> -> vector<16xi32>
      %eq3A_272 = arith.constant 0 : i32
      %eq3A_273 = vector.broadcast %eq3A_272 : i32 to vector<16xi32>
      %eq3A_274 = arith.cmpi eq, %iota3A, %eq3A_273 : vector<16xi32>
      %select_n3A_275 = arith.select %eq3A_274, %gather3A_251, %gather3A_271 : vector<16xi1>, vector<16xi32>
      %ne3A_276 = arith.constant 511 : i32
      %ne3A_277 = vector.broadcast %ne3A_276 : i32 to vector<16xi32>
      %ne3A_278 = arith.cmpi ne, %get3A_261, %ne3A_277 : vector<16xi32>
      %ne3A_279 = arith.cmpi ne, %get3A_261, %select_n3A_275 : vector<16xi32>
      %and3A_280 = arith.andi %ne3A_278, %ne3A_279 : vector<16xi1>
      %convert_element_type3A_281 = arith.extui %and3A_280 : vector<16xi1> to vector<16xi32>
      %broadcast_in_dim3A_282 = arith.constant true
      %broadcast_in_dim3A_283 = vector.broadcast %broadcast_in_dim3A_282 : i1 to vector<16xi1>
      %masked_cumsum3A_284 = tpu.scan <sum>, %convert_element_type3A_281 masked %broadcast_in_dim3A_283 : vector<16xi32>, vector<16xi1> -> vector<16xi32>
      %add3A_285 = arith.addi %add3A_241, %masked_cumsum3A_284 : vector<16xi32>
      %sub3A_286 = arith.constant 1 : i32
      %sub3A_287 = vector.broadcast %sub3A_286 : i32 to vector<16xi32>
      %sub3A_288 = arith.subi %add3A_285, %sub3A_287 : vector<16xi32>
      tpu.vector_store_idx %arg5[%sub3A_288], %get3A_261 masked %and3A_280 : memref<4096xi32, #tpu.memory_space<vmem>>[vector<16xi32>], vector<16xi32>, vector<16xi1>
      %all_reduce_population_count3A_289 = tpu.all_reduce %and3A_280 {dim = 0 : i64, kind = #tpu.reduction_kind<sum>} : vector<16xi1> -> vector<16xi32>
      %add3A_290 = arith.addi %add3A_241, %all_reduce_population_count3A_289 : vector<16xi32>
      %lt3A_291 = arith.constant 0 : i32
      %lt3A_292 = vector.broadcast %lt3A_291 : i32 to vector<16xi32>
      %lt3A_293 = arith.cmpi slt, %broadcast_in_dim3A_5, %lt3A_292 : vector<16xi32>
      %add3A_294 = arith.constant 16 : i32
      %add3A_295 = vector.broadcast %add3A_294 : i32 to vector<16xi32>
      %add3A_296 = arith.addi %broadcast_in_dim3A_5, %add3A_295 : vector<16xi32>
      %select_n3A_297 = arith.select %lt3A_293, %add3A_296, %broadcast_in_dim3A_5 : vector<16xi1>, vector<16xi32>
      %broadcast_in_dim3A_298 = vector.shape_cast %select_n3A_297 : vector<16xi32> to vector<16x1xi32>
      %gather3A_299 = vector.shape_cast %broadcast_in_dim3A_298 : vector<16x1xi32> to vector<16xi32>
      %gather3A_300 = tpu.dynamic_gather %get3A_261[%gather3A_299] in [0] : vector<16xi32>, vector<16xi32> -> vector<16xi32>
      %scan3A_301 = arith.constant 6 : i32
      %scan3A_302 = arith.addi %scan3A_17, %scan3A_301 : i32
      %mul3A_303 = arith.constant 16 : i32
      %mul3A_304 = arith.muli %scan3A_302, %mul3A_303 : i32
      %swap3A_305 = arith.index_cast %mul3A_304 : i32 to index
      %swap3A_306 = tpu.vector_load %arg5[%swap3A_305] {strides = array<i32>} : memref<4096xi32, #tpu.memory_space<vmem>>, vector<16xi32>,
      tpu.vector_store %arg5[%swap3A_305], %broadcast_in_dim3A_7 {strides = array<i32>} : memref<4096xi32, #tpu.memory_space<vmem>>, vector<16xi32>,
      %mul3A_307 = arith.constant 16 : i32
      %mul3A_308 = arith.muli %scan3A_302, %mul3A_307 : i32
      %get3A_309 = arith.index_cast %mul3A_308 : i32 to index
      %get3A_310 = tpu.vector_load %arg4[%get3A_309] {strides = array<i32>} : memref<4096xi32, #tpu.memory_space<vmem>>, vector<16xi32>,
      %lt3A_311 = arith.constant 0 : i32
      %lt3A_312 = vector.broadcast %lt3A_311 : i32 to vector<16xi32>
      %lt3A_313 = arith.cmpi slt, %max3A_4, %lt3A_312 : vector<16xi32>
      %add3A_314 = arith.constant 16 : i32
      %add3A_315 = vector.broadcast %add3A_314 : i32 to vector<16xi32>
      %add3A_316 = arith.addi %max3A_4, %add3A_315 : vector<16xi32>
      %select_n3A_317 = arith.select %lt3A_313, %add3A_316, %max3A_4 : vector<16xi1>, vector<16xi32>
      %broadcast_in_dim3A_318 = vector.shape_cast %select_n3A_317 : vector<16xi32> to vector<16x1xi32>
      %gather3A_319 = vector.shape_cast %broadcast_in_dim3A_318 : vector<16x1xi32> to vector<16xi32>
      %gather3A_320 = tpu.dynamic_gather %get3A_310[%gather3A_319] in [0] : vector<16xi32>, vector<16xi32> -> vector<16xi32>
      %eq3A_321 = arith.constant 0 : i32
      %eq3A_322 = vector.broadcast %eq3A_321 : i32 to vector<16xi32>
      %eq3A_323 = arith.cmpi eq, %iota3A, %eq3A_322 : vector<16xi32>
      %select_n3A_324 = arith.select %eq3A_323, %gather3A_300, %gather3A_320 : vector<16xi1>, vector<16xi32>
      %ne3A_325 = arith.constant 511 : i32
      %ne3A_326 = vector.broadcast %ne3A_325 : i32 to vector<16xi32>
      %ne3A_327 = arith.cmpi ne, %get3A_310, %ne3A_326 : vector<16xi32>
      %ne3A_328 = arith.cmpi ne, %get3A_310, %select_n3A_324 : vector<16xi32>
      %and3A_329 = arith.andi %ne3A_327, %ne3A_328 : vector<16xi1>
      %convert_element_type3A_330 = arith.extui %and3A_329 : vector<16xi1> to vector<16xi32>
      %broadcast_in_dim3A_331 = arith.constant true
      %broadcast_in_dim3A_332 = vector.broadcast %broadcast_in_dim3A_331 : i1 to vector<16xi1>
      %masked_cumsum3A_333 = tpu.scan <sum>, %convert_element_type3A_330 masked %broadcast_in_dim3A_332 : vector<16xi32>, vector<16xi1> -> vector<16xi32>
      %add3A_334 = arith.addi %add3A_290, %masked_cumsum3A_333 : vector<16xi32>
      %sub3A_335 = arith.constant 1 : i32
      %sub3A_336 = vector.broadcast %sub3A_335 : i32 to vector<16xi32>
      %sub3A_337 = arith.subi %add3A_334, %sub3A_336 : vector<16xi32>
      tpu.vector_store_idx %arg5[%sub3A_337], %get3A_310 masked %and3A_329 : memref<4096xi32, #tpu.memory_space<vmem>>[vector<16xi32>], vector<16xi32>, vector<16xi1>
      %all_reduce_population_count3A_338 = tpu.all_reduce %and3A_329 {dim = 0 : i64, kind = #tpu.reduction_kind<sum>} : vector<16xi1> -> vector<16xi32>
      %add3A_339 = arith.addi %add3A_290, %all_reduce_population_count3A_338 : vector<16xi32>
      %lt3A_340 = arith.constant 0 : i32
      %lt3A_341 = vector.broadcast %lt3A_340 : i32 to vector<16xi32>
      %lt3A_342 = arith.cmpi slt, %broadcast_in_dim3A_5, %lt3A_341 : vector<16xi32>
      %add3A_343 = arith.constant 16 : i32
      %add3A_344 = vector.broadcast %add3A_343 : i32 to vector<16xi32>
      %add3A_345 = arith.addi %broadcast_in_dim3A_5, %add3A_344 : vector<16xi32>
      %select_n3A_346 = arith.select %lt3A_342, %add3A_345, %broadcast_in_dim3A_5 : vector<16xi1>, vector<16xi32>
      %broadcast_in_dim3A_347 = vector.shape_cast %select_n3A_346 : vector<16xi32> to vector<16x1xi32>
      %gather3A_348 = vector.shape_cast %broadcast_in_dim3A_347 : vector<16x1xi32> to vector<16xi32>
      %gather3A_349 = tpu.dynamic_gather %get3A_310[%gather3A_348] in [0] : vector<16xi32>, vector<16xi32> -> vector<16xi32>
      %scan3A_350 = arith.constant 7 : i32
      %scan3A_351 = arith.addi %scan3A_17, %scan3A_350 : i32
      %mul3A_352 = arith.constant 16 : i32
      %mul3A_353 = arith.muli %scan3A_351, %mul3A_352 : i32
      %swap3A_354 = arith.index_cast %mul3A_353 : i32 to index
      %swap3A_355 = tpu.vector_load %arg5[%swap3A_354] {strides = array<i32>} : memref<4096xi32, #tpu.memory_space<vmem>>, vector<16xi32>,
      tpu.vector_store %arg5[%swap3A_354], %broadcast_in_dim3A_7 {strides = array<i32>} : memref<4096xi32, #tpu.memory_space<vmem>>, vector<16xi32>,
      %mul3A_356 = arith.constant 16 : i32
      %mul3A_357 = arith.muli %scan3A_351, %mul3A_356 : i32
      %get3A_358 = arith.index_cast %mul3A_357 : i32 to index
      %get3A_359 = tpu.vector_load %arg4[%get3A_358] {strides = array<i32>} : memref<4096xi32, #tpu.memory_space<vmem>>, vector<16xi32>,
      %lt3A_360 = arith.constant 0 : i32
      %lt3A_361 = vector.broadcast %lt3A_360 : i32 to vector<16xi32>
      %lt3A_362 = arith.cmpi slt, %max3A_4, %lt3A_361 : vector<16xi32>
      %add3A_363 = arith.constant 16 : i32
      %add3A_364 = vector.broadcast %add3A_363 : i32 to vector<16xi32>
      %add3A_365 = arith.addi %max3A_4, %add3A_364 : vector<16xi32>
      %select_n3A_366 = arith.select %lt3A_362, %add3A_365, %max3A_4 : vector<16xi1>, vector<16xi32>
      %broadcast_in_dim3A_367 = vector.shape_cast %select_n3A_366 : vector<16xi32> to vector<16x1xi32>
      %gather3A_368 = vector.shape_cast %broadcast_in_dim3A_367 : vector<16x1xi32> to vector<16xi32>
      %gather3A_369 = tpu.dynamic_gather %get3A_359[%gather3A_368] in [0] : vector<16xi32>, vector<16xi32> -> vector<16xi32>
      %eq3A_370 = arith.constant 0 : i32
      %eq3A_371 = vector.broadcast %eq3A_370 : i32 to vector<16xi32>
      %eq3A_372 = arith.cmpi eq, %iota3A, %eq3A_371 : vector<16xi32>
      %select_n3A_373 = arith.select %eq3A_372, %gather3A_349, %gather3A_369 : vector<16xi1>, vector<16xi32>
      %ne3A_374 = arith.constant 511 : i32
      %ne3A_375 = vector.broadcast %ne3A_374 : i32 to vector<16xi32>
      %ne3A_376 = arith.cmpi ne, %get3A_359, %ne3A_375 : vector<16xi32>
      %ne3A_377 = arith.cmpi ne, %get3A_359, %select_n3A_373 : vector<16xi32>
      %and3A_378 = arith.andi %ne3A_376, %ne3A_377 : vector<16xi1>
      %convert_element_type3A_379 = arith.extui %and3A_378 : vector<16xi1> to vector<16xi32>
      %broadcast_in_dim3A_380 = arith.constant true
      %broadcast_in_dim3A_381 = vector.broadcast %broadcast_in_dim3A_380 : i1 to vector<16xi1>
      %masked_cumsum3A_382 = tpu.scan <sum>, %convert_element_type3A_379 masked %broadcast_in_dim3A_381 : vector<16xi32>, vector<16xi1> -> vector<16xi32>
      %add3A_383 = arith.addi %add3A_339, %masked_cumsum3A_382 : vector<16xi32>
      %sub3A_384 = arith.constant 1 : i32
      %sub3A_385 = vector.broadcast %sub3A_384 : i32 to vector<16xi32>
      %sub3A_386 = arith.subi %add3A_383, %sub3A_385 : vector<16xi32>
      tpu.vector_store_idx %arg5[%sub3A_386], %get3A_359 masked %and3A_378 : memref<4096xi32, #tpu.memory_space<vmem>>[vector<16xi32>], vector<16xi32>, vector<16xi1>
      %all_reduce_population_count3A_387 = tpu.all_reduce %and3A_378 {dim = 0 : i64, kind = #tpu.reduction_kind<sum>} : vector<16xi1> -> vector<16xi32>
      %add3A_388 = arith.addi %add3A_339, %all_reduce_population_count3A_387 : vector<16xi32>
      %lt3A_389 = arith.constant 0 : i32
      %lt3A_390 = vector.broadcast %lt3A_389 : i32 to vector<16xi32>
      %lt3A_391 = arith.cmpi slt, %broadcast_in_dim3A_5, %lt3A_390 : vector<16xi32>
      %add3A_392 = arith.constant 16 : i32
      %add3A_393 = vector.broadcast %add3A_392 : i32 to vector<16xi32>
      %add3A_394 = arith.addi %broadcast_in_dim3A_5, %add3A_393 : vector<16xi32>
      %select_n3A_395 = arith.select %lt3A_391, %add3A_394, %broadcast_in_dim3A_5 : vector<16xi1>, vector<16xi32>
      %broadcast_in_dim3A_396 = vector.shape_cast %select_n3A_395 : vector<16xi32> to vector<16x1xi32>
      %gather3A_397 = vector.shape_cast %broadcast_in_dim3A_396 : vector<16x1xi32> to vector<16xi32>
      %gather3A_398 = tpu.dynamic_gather %get3A_359[%gather3A_397] in [0] : vector<16xi32>, vector<16xi32> -> vector<16xi32>
      scf.yield %add3A_388, %gather3A_398 : vector<16xi32>, vector<16xi32>
    }
    %scan3A_16 = arith.constant 256 : i32
    "tpu.region"() ({
      %run_scoped3A = tpu.sem_alloc : memref<!tpu.dma_semaphore, #tpu.memory_space<semaphore_mem>>
      %dma_start3A = arith.constant 0 : i32
      %dma_start3A_17 = tpu.memref_slice %arg3[%add3A, %dma_start3A] : memref<16x4096xi32, #tpu.memory_space<hbm>> -> memref<1x4096xi32, #tpu.memory_space<hbm>>
      %dma_start3A_18 = tpu.memref_squeeze %dma_start3A_17 : memref<1x4096xi32, #tpu.memory_space<hbm>> -> memref<4096xi32, #tpu.memory_space<hbm>>
      %dma_start3A_19 = arith.constant 0 : i32
      %dma_start3A_20 = tpu.memref_slice %arg3[%add3A, %dma_start3A_19] : memref<16x4096xi32, #tpu.memory_space<hbm>> -> memref<1x4096xi32, #tpu.memory_space<hbm>>
      %dma_start3A_21 = tpu.memref_squeeze %dma_start3A_20 : memref<1x4096xi32, #tpu.memory_space<hbm>> -> memref<4096xi32, #tpu.memory_space<hbm>>
      tpu.enqueue_dma source(%arg5 : memref<4096xi32, #tpu.memory_space<vmem>>) target(%dma_start3A_21 : memref<4096xi32, #tpu.memory_space<hbm>>) target_semaphore(%run_scoped3A : memref<!tpu.dma_semaphore, #tpu.memory_space<semaphore_mem>>)
      %dma_wait3A = arith.constant 0 : i32
      %dma_wait3A_22 = tpu.memref_slice %arg3[%add3A, %dma_wait3A] : memref<16x4096xi32, #tpu.memory_space<hbm>> -> memref<1x4096xi32, #tpu.memory_space<hbm>>
      %dma_wait3A_23 = tpu.memref_squeeze %dma_wait3A_22 : memref<1x4096xi32, #tpu.memory_space<hbm>> -> memref<4096xi32, #tpu.memory_space<hbm>>
      %dma_wait3A_24 = arith.constant 0 : i32
      %dma_wait3A_25 = tpu.memref_slice %arg3[%add3A, %dma_wait3A_24] : memref<16x4096xi32, #tpu.memory_space<hbm>> -> memref<1x4096xi32, #tpu.memory_space<hbm>>
      %dma_wait3A_26 = tpu.memref_squeeze %dma_wait3A_25 : memref<1x4096xi32, #tpu.memory_space<hbm>> -> memref<4096xi32, #tpu.memory_space<hbm>>
      tpu.wait_dma2 semaphore(%run_scoped3A : memref<!tpu.dma_semaphore, #tpu.memory_space<semaphore_mem>>) src(%arg5 : memref<4096xi32, #tpu.memory_space<vmem>>) dst(%dma_wait3A_26 : memref<4096xi32, #tpu.memory_space<hbm>>)
      tpu.yield
    }) : () -> ()
    return
  }
}

module attributes {stable_mosaic.version = 14 : i64} {
  func.func @_argmax_body(%arg0: i32, %arg1: i32, %arg2: memref<8x512x512xf32, #tpu.memory_space<vmem>>, %arg3: memref<8x512xi32, #tpu.memory_space<vmem>>) attributes {dimension_semantics = [#tpu.dimension_semantics<parallel>, #tpu.dimension_semantics<parallel>], iteration_bounds = array<i64: 2, 8>, scalar_prefetch = 0 : i64, scratch_operands = 0 : i64, tpu.core_type = #tpu.core_type<tc>, window_params = [{transform_indices = @transform_0, window_bounds = array<i64: 8, 512, 512>}, {transform_indices = @transform_1, window_bounds = array<i64: 8, 512>}]} {
    %get3A = arith.constant 0 : index
    %get3A_0 = arith.constant 0 : index
    %get3A_1 = arith.constant 0 : index
    %get3A_2 = vector.load %arg2[%get3A, %get3A_0, %get3A_1] : memref<8x512x512xf32, #tpu.memory_space<vmem>>, vector<8x512x128xf32>
    %broadcast_in_dim3A = arith.constant 0.000000e+00 : f32
    %broadcast_in_dim3A_3 = vector.broadcast %broadcast_in_dim3A : f32 to vector<8x512x128xf32>
    %get3A_4 = arith.constant 0 : index
    %get3A_5 = arith.constant 0 : index
    %get3A_6 = arith.constant 128 : index
    %get3A_7 = vector.load %arg2[%get3A_4, %get3A_5, %get3A_6] : memref<8x512x512xf32, #tpu.memory_space<vmem>>, vector<8x512x128xf32>
    %gt3A = arith.cmpf ogt, %get3A_7, %get3A_2 : vector<8x512x128xf32>
    %select_n3A = arith.select %gt3A, %get3A_7, %get3A_2 : vector<8x512x128xi1>, vector<8x512x128xf32>
    %jit3A = arith.constant 1.000000e+00 : f32
    %broadcast_in_dim3A_8 = vector.broadcast %jit3A : f32 to vector<8x512x128xf32>
    %select_n3A_9 = arith.select %gt3A, %broadcast_in_dim3A_8, %broadcast_in_dim3A_3 : vector<8x512x128xi1>, vector<8x512x128xf32>
    %get3A_10 = arith.constant 0 : index
    %get3A_11 = arith.constant 0 : index
    %get3A_12 = arith.constant 256 : index
    %get3A_13 = vector.load %arg2[%get3A_10, %get3A_11, %get3A_12] : memref<8x512x512xf32, #tpu.memory_space<vmem>>, vector<8x512x128xf32>
    %gt3A_14 = arith.cmpf ogt, %get3A_13, %select_n3A : vector<8x512x128xf32>
    %select_n3A_15 = arith.select %gt3A_14, %get3A_13, %select_n3A : vector<8x512x128xi1>, vector<8x512x128xf32>
    %jit3A_16 = arith.constant 2.000000e+00 : f32
    %broadcast_in_dim3A_17 = vector.broadcast %jit3A_16 : f32 to vector<8x512x128xf32>
    %select_n3A_18 = arith.select %gt3A_14, %broadcast_in_dim3A_17, %select_n3A_9 : vector<8x512x128xi1>, vector<8x512x128xf32>
    %get3A_19 = arith.constant 0 : index
    %get3A_20 = arith.constant 0 : index
    %get3A_21 = arith.constant 384 : index
    %get3A_22 = vector.load %arg2[%get3A_19, %get3A_20, %get3A_21] : memref<8x512x512xf32, #tpu.memory_space<vmem>>, vector<8x512x128xf32>
    %gt3A_23 = arith.cmpf ogt, %get3A_22, %select_n3A_15 : vector<8x512x128xf32>
    %select_n3A_24 = arith.select %gt3A_23, %get3A_22, %select_n3A_15 : vector<8x512x128xi1>, vector<8x512x128xf32>
    %jit3A_25 = arith.constant 3.000000e+00 : f32
    %broadcast_in_dim3A_26 = vector.broadcast %jit3A_25 : f32 to vector<8x512x128xf32>
    %select_n3A_27 = arith.select %gt3A_23, %broadcast_in_dim3A_26, %select_n3A_18 : vector<8x512x128xi1>, vector<8x512x128xf32>
    %reduce_max3A = arith.constant dense<0xFF800000> : vector<8x512xf32>
    %reduce_max3A_28 = vector.multi_reduction <maximumf>, %select_n3A_24, %reduce_max3A [2] : vector<8x512x128xf32> to vector<8x512xf32>
    %broadcast_in_dim3A_29 = vector.shape_cast %reduce_max3A_28 : vector<8x512xf32> to vector<8x512x1xf32>
    %iota3A = tpu.iota {dimensions = array<i32: 2>} : vector<1x1x128xi32>
    %convert_element_type3A = arith.sitofp %iota3A : vector<1x1x128xi32> to vector<1x1x128xf32>
    %mul3A = arith.constant 1.280000e+02 : f32
    %mul3A_30 = vector.broadcast %mul3A : f32 to vector<8x512x128xf32>
    %mul3A_31 = arith.mulf %select_n3A_27, %mul3A_30 : vector<8x512x128xf32>
    %add3A = vector.broadcast %convert_element_type3A : vector<1x1x128xf32> to vector<8x512x128xf32>
    %add3A_32 = arith.addf %mul3A_31, %add3A : vector<8x512x128xf32>
    %eq3A = vector.broadcast %broadcast_in_dim3A_29 : vector<8x512x1xf32> to vector<8x512x128xf32>
    %eq3A_33 = arith.cmpf oeq, %select_n3A_24, %eq3A : vector<8x512x128xf32>
    %jit3A_34 = arith.constant 5.120000e+02 : f32
    %broadcast_in_dim3A_35 = vector.broadcast %jit3A_34 : f32 to vector<8x512x128xf32>
    %select_n3A_36 = arith.select %eq3A_33, %add3A_32, %broadcast_in_dim3A_35 : vector<8x512x128xi1>, vector<8x512x128xf32>
    %reduce_min3A = arith.constant dense<0x7F800000> : vector<8x512xf32>
    %reduce_min3A_37 = vector.multi_reduction <minimumf>, %select_n3A_36, %reduce_min3A [2] : vector<8x512x128xf32> to vector<8x512xf32>
    %convert_element_type3A_38 = arith.fptosi %reduce_min3A_37 : vector<8x512xf32> to vector<8x512xi32>
    %swap3A = arith.constant 0 : index
    %swap3A_39 = arith.constant 0 : index
    %swap3A_40 = vector.load %arg3[%swap3A, %swap3A_39] : memref<8x512xi32, #tpu.memory_space<vmem>>, vector<8x512xi32>
    tpu.vector_store %arg3[%swap3A, %swap3A_39], %convert_element_type3A_38 {strides = array<i32>} : memref<8x512xi32, #tpu.memory_space<vmem>>, vector<8x512xi32>,
    return
  }
  func.func @transform_0(%arg0: i32, %arg1: i32) -> (i32, i32, i32) {
    %c0_i32 = arith.constant 0 : i32
    %c0_i32_0 = arith.constant 0 : i32
    return %arg0, %arg1, %c0_i32 : i32, i32, i32
  }
  func.func @transform_1(%arg0: i32, %arg1: i32) -> (i32, i32) {
    %c0_i32 = arith.constant 0 : i32
    return %arg0, %arg1 : i32, i32
  }
}

</mosaic_0001>

<sc_bundles>
// kernel: kernel.4.cloned.1.call-start
scs
__scs_entry_jumppad:
0x0: {  	(pc) =	sbr.rel $0x88, $3  }
0x1: {  	(tag) =	ssettag $0x0;
	lr =	simm.s32 $0x1  }
0x2: {  	[smem:$0x3FA0] =	sst lr;
	_ =	strace $0xD0000000  }
0x3: {  	_ = 	snop  }
0x4: {  	_ = 	snop  }
0x5: {  	_ = 	snop  }
0x6: {  	_ = 	snop  }
0x7: {  	_ = 	snop  }
__scs_overlays_trampoline_lowered:
0x8: {  	[smem:$0x3FAF] =	sst s0  }
0x9: {  	[smem:$0x3FB0] =	sst s1  }
0xa: {  	[smem:$0x3FB1] =	sst s2  }
0xb: {  	[smem:$0x3FB2] =	sst s3  }
0xc: {  	[smem:$0x3FB3] =	sst s4  }
0xd: {  	[smem:$0x3FB4] =	sst s5  }
0xe: {  	[smem:$0x3FB5] =	sst s6  }
0xf: {  	[smem:$0x3FB6] =	sst s7  }
0x10: {  	[smem:$0x3FB7] =	sst s8  }
0x11: {  	[smem:$0x3FB8] =	sst s9;
	s0 =	simm.s32 @!p0 $0x0  }
0x12: {  	s1 =	sld [smem:$0x3F9E];
	s0 =	simm.s32 @p0 $0x1  }
0x13: {  	[smem:$0x3FB9] =	sst s0;
	s0 =	simm.s32 @!p1 $0x0  }
0x14: {  	s2 =	sld [smem:$0x3F9D];
	s0 =	simm.s32 @p1 $0x1  }
0x15: {  	[smem:$0x3FBA] =	sst s0;
	s0 =	simm.s32 @!p2 $0x0  }
0x16: {  	s3 =	sld [smem:$0x3FDB];
	s0 =	simm.s32 @p2 $0x1  }
0x17: {  	s4 =	simm.s32 $0x1BF5;
	[smem:$0x3FBC] =	sst s0  }
0x18: {  	s0 =	sld [smem:$0x3F9F];
	_ =	swait.ge [sflag:s4], $0x0  }
0x19: {  	s7 =	sld [smem:$0x3FA0]  }
0x1a: {  	s8 =	sadd.s32 $0xFFFFE003, lr  }
0x1b: {  	s9 =	sadd.s32 $0xFFFFFEF7, lr;
	s5 =	simm.s32 $0xFFFFFFFF;
	p2 =	slt.u32 s8, $0xFFFFF086  }
0x1c: {  	p1 =	slt.u32 s9, $0xF7A;
	s5 =	simm.s32 @!p2 $0x0  }
0x1d: {  	s5 =	simm.s32 @p1 $0x1;
	p0 =	seq.s32 s7, s2  }
0x1e: {  	s7 =	smul.u32 @!p0 $0xF7A, s2;
	p2 =	seq.s32 @!p0 s5, $0x0  }
0x1f: {  	s9 =	smul.u32 $0xF7A, s1;
	s8 =	simm.s32 @!p0 $0x1BF5;
	p2 =	por !p2, p0  }
0x20: {  	[sflag:s8] =	ssyncset.s32 @!p0 $0xFFFFF086;
	s6 =	sadd.s32 @!p0 s3, s7;
	s7 =	simm.s32 @!p0 $0x108  }
0x21: {  	s3 =	sadd.s32 s3, s9;
	s6 =	sadd.s32 @!p0 $0x88, s6;
	s7 =	simm.s32 @p2 $0x1082  }
0x22: {  	[simem:s7], [sflag:s8] =	dma.local @!p0 [hbm:s6], $0xF7A  }
0x23: {  	s9 =	sor.u32 $0xD0000000, s2;
	s6 =	simm.s32 $0x108;
	_ =	swait.ge @!p0 [sflag:s8], $0x0  }
0x24: {  	s3 =	sadd.s32 $0x88, s3;
	s6 =	simm.s32 @!p1 $0x1082;
	[sflag:s4] =	ssyncset.s32 $0xFFFFF086  }
0x25: {  	[simem:s6], [sflag:s4] =	dma.local [hbm:s3], $0xF7A  }
0x26: {  	[smem:$0x3FA0] =	sst s1;
	(tag) =	ssettag s2;
	_ =	strace s9  }
0x27: {  	s1 =	sld [smem:$0x3FB0]  }
0x28: {  	s2 =	sld [smem:$0x3FB1]  }
0x29: {  	s4 =	sld [smem:$0x3FB3]  }
0x2a: {  	p0 =	seq.s32 s5, $0x0;
	s5 =	sld [smem:$0x3FB4]  }
0x2b: {  	s6 =	sld [smem:$0x3FB5]  }
0x2c: {  	s7 =	sld [smem:$0x3FB6]  }
0x2d: {  	s3 =	simm.s32 $0x108;
	s8 =	sld [smem:$0x3FB7]  }
0x2e: {  	s3 =	simm.s32 @!p0 $0x1082;
	s9 =	sld [smem:$0x3FB8]  }
0x2f: {  	lr =	sadd.s32 s0, s3;
	s0 =	sld [smem:$0x3FAF]  }
0x30: {  	s3 =	sld [smem:$0x3FB2]  }
0x31: {  	[smem:$0x3FBB] =	sst s10  }
0x32: {  	s10 =	sld [smem:$0x3FB9];
	_ =	sdelay $0x3  }
0x33: {  	p0 =	seq.s32 s10, $0x1;
	s10 =	sld [smem:$0x3FBB];
	_ =	sdelay $0x3  }
0x34: {  	[smem:$0x3FBB] =	sst s10  }
0x35: {  	s10 =	sld [smem:$0x3FBA];
	_ =	sdelay $0x3  }
0x36: {  	p1 =	seq.s32 s10, $0x1;
	s10 =	sld [smem:$0x3FBB];
	_ =	sdelay $0x3  }
0x37: {  	[smem:$0x3FBB] =	sst s10  }
0x38: {  	s10 =	sld [smem:$0x3FBC]  }
0x39: {  	_ = 	snop;
	(pc) =	sbr.ind lr, $3  }
0x3a: {  	_ = 	snop  }
0x3b: {  	_ = 	snop  }
0x3c: {  	p2 =	seq.s32 s10, $0x1;
	s10 =	sld [smem:$0x3FBB]  }
0x3d: {  	_ =	shalt  }
0x3e: {  	_ =	shalt  }
0x3f: {  	_ =	shalt  }
0x40: {  	_ =	shalt  }
0x41: {  	_ =	shalt  }
0x42: {  	_ =	shalt  }
0x43: {  	_ =	shalt  }
0x44: {  	_ =	shalt  }
0x45: {  	_ =	shalt  }
0x46: {  	_ =	shalt  }
0x47: {  	_ =	shalt  }
0x48: {  	_ =	shalt  }
0x49: {  	_ =	shalt  }
0x4a: {  	_ =	shalt  }
0x4b: {  	_ =	shalt  }
0x4c: {  	_ =	shalt  }
0x4d: {  	_ =	shalt  }
0x4e: {  	_ =	shalt  }
0x4f: {  	_ =	shalt  }
0x50: {  	_ =	shalt  }
0x51: {  	_ =	shalt  }
0x52: {  	_ =	shalt  }
0x53: {  	_ =	shalt  }
0x54: {  	_ =	shalt  }
0x55: {  	_ =	shalt  }
0x56: {  	_ =	shalt  }
0x57: {  	_ =	shalt  }
0x58: {  	_ =	shalt  }
0x59: {  	_ =	shalt  }
0x5a: {  	_ =	shalt  }
0x5b: {  	_ =	shalt  }
0x5c: {  	_ =	shalt  }
0x5d: {  	_ =	shalt  }
0x5e: {  	_ =	shalt  }
0x5f: {  	_ =	shalt  }
0x60: {  	_ =	shalt  }
0x61: {  	_ =	shalt  }
0x62: {  	_ =	shalt  }
0x63: {  	_ =	shalt  }
0x64: {  	_ =	shalt  }
0x65: {  	_ =	shalt  }
0x66: {  	_ =	shalt  }
0x67: {  	_ =	shalt  }
0x68: {  	_ =	shalt  }
0x69: {  	_ =	shalt  }
0x6a: {  	_ =	shalt  }
0x6b: {  	_ =	shalt  }
0x6c: {  	_ =	shalt  }
0x6d: {  	_ =	shalt  }
0x6e: {  	_ =	shalt  }
0x6f: {  	_ =	shalt  }
0x70: {  	_ =	shalt  }
0x71: {  	_ =	shalt  }
0x72: {  	_ =	shalt  }
0x73: {  	_ =	shalt  }
0x74: {  	_ =	shalt  }
0x75: {  	_ =	shalt  }
0x76: {  	_ =	shalt  }
0x77: {  	_ =	shalt  }
0x78: {  	_ =	shalt  }
0x79: {  	_ =	shalt  }
0x7a: {  	_ =	shalt  }
0x7b: {  	_ =	shalt  }
0x7c: {  	_ =	shalt  }
0x7d: {  	_ =	shalt  }
0x7e: {  	_ =	shalt  }
0x7f: {  	_ =	shalt  }
0x80: {  	_ =	shalt  }
0x81: {  	_ =	shalt  }
0x82: {  	_ =	shalt  }
0x83: {  	_ =	shalt  }
0x84: {  	_ =	shalt  }
0x85: {  	_ =	shalt  }
0x86: {  	_ =	shalt  }
0x87: {  	_ =	shalt  }
.Lfunc_end0:
.L_simem_size_0:
called_computation_lowered:
.L_overlay_start_0:
0x88: {  	s2 =	sld [smem:$0x3FD9]  }
0x89: {  	s3 =	sld [smem:$0x3FFE];
	_ =	sdelay $0x1  }
0x8a: {  	s1 =	srdreg.scid  }
0x8b: {  	s0 =	sand.u32 $0x1, s1  }
0x8c: {  	s17 =	sshll.u32 s0, $0xA;
	s2 =	sadd.s32 s3, s2  }
0x8d: {  	s2 =	sadd.s32 s2, s17  }
0x8e: {  	[smem:$0x3FC7] =	sst s2  }
0x8f: {  	_ = 	snop  }
0x90: {  	s2 =	sld [smem:$0x3FD0];
	(tm) =	ssettm $0x1  }
0x91: {  	s18 =	sld [smem:$0x3FFB];
	_ =	sdelay $0x3  }
0x92: {  	_ =	strace s18  }
0x93: {  	s3 =	sld [smem:$0x3FFC];
	_ =	sdelay $0x3  }
0x94: {  	_ =	strace s3  }
0x95: {  	s3 =	sld [smem:$0x3FFD];
	_ =	sdelay $0x3  }
0x96: {  	_ =	strace s3  }
0x97: {  	_ =	strace $0x8FFFFFFF  }
0x98: {  	s19 =	sld [smem:$0x3FDB];
	_ =	sdelay $0x1  }
0x99: {  	s4 =	simm.s32 $_scs_section_size  }
0x9a: {  	s5 =	simm.s32 $_size__tile_overlayer_lowered;
	s6 =	simm.s32 $_tile_overlayer_lowered  }
0x9b: {  	s22 =	simm.s32 $0x1BFF;
	s21 =	sshll.u32 s6, $0x1;
	s3 =	sadd.s32 s4, s19  }
0x9c: {  	s7 =	simm.s32 $0x0;
	s20 =	sshll.u32 s5, $0x1;
	s5 =	sadd.s32 s21, s3  }
0x9d: {  	[timem:s7], [sflag:s22] =	dma.local [hbm:s5], s20  }
0x9e: {  	_ =	swait.ge [sflag:s22], s20  }
0x9f: {  	s4 =	ssub.s32 $0x0, s20;
	[sflag:s22] =	ssyncset.done $0x0  }
0xa0: {  	[sflag:s22] =	ssyncadd.s32 s4;
	_ =	sdelay $0x1  }
0xa1: {  	s23 =	simm.s32 $0x1B8B  }
0xa2: {  	_ =	swait.ge [sflag:s23], $0x1  }
0xa3: {  	[sflag:s23] =	ssyncset.done $0x0  }
0xa4: {  	s25 =	simm.s32 $0x1B8E;
	s24 =	sld [smem:$0x3FFE];
	[sflag:s23] =	ssyncadd.s32 $0xFFFFFFFF  }
0xa5: {  	s26 =	simm.s32 $execute0_lowered;
	[smem:$0x3FD2] =	sst s25  }
0xa6: {  	s5 =	sshll.u32 s26, $0x1;
	_ =	strace $0x80000046;
	[dreg:$0x1] =	wrdreg $0xFFFFFFFF  }
0xa7: {  	s28 =	simm.s32 $_size_execute0_lowered;
	s3 =	sadd.s32 s3, s5;
	[dreg:$0x0] =	wrdreg $0x0  }
0xa8: {  	s5 =	sshll.u32 s28, $0x1;
	[dreg:$0x2] =	wrdreg s3  }
0xa9: {  	[dreg:$0x3] =	wrdreg s5  }
0xaa: {  	[dreg:$0x4] =	wrdreg $0xC0  }
0xab: {  	_ =	task [dreg:s7], $0x5FFFF  }
0xac: {  	[dreg:$0x1] =	wrdreg $0xFFFFFFFF  }
0xad: {  	[dreg:$0x0] =	wrdreg $0x60  }
0xae: {  	[dreg:$0x2] =	wrdreg s2  }
0xaf: {  	[dreg:$0x3] =	wrdreg s24  }
0xb0: {  	[dreg:$0x4] =	wrdreg $0x9  }
0xb1: {  	_ =	task.clear_ibuf [dreg:s7], $0x5FFFF;
	_ =	strace $0x90000046  }
0xb2: {  	s29 =	simm.s32 $0x9;
	_ =	strace $0x80000048  }
0xb3: {  	_ =	swait.ge [sflag:s29], $0x1  }
0xb4: {  	[sflag:s29] =	ssyncadd.s32 $0xFFFFFFFF  }
0xb5: {  	_ =	strace $0x90000048  }
0xb6: {  	_ =	sfence  }
0xb7: {  	s30 =	sld [smem:$0x0];
	_ =	sdelay $0x2  }
0xb8: {  	s31 =	sshll.u32 s1, $0xD;
	s1 =	sshrl.u32 s1, $0x2  }
0xb9: {  	s3 =	sand.u32 $0x4000, s31;
	s1 =	sadd.s32 s1, s30  }
0xba: {  	s0 =	sor.u32 s3, s0;
	s1 =	sshll.u32 s1, $0x11  }
0xbb: {  	s0 =	sor.u32 s1, s0  }
0xbc: {  	s0 =	sadd.s32 $0x8F2B, s0  }
0xbd: {  	[sflag:s0] =	ssyncadd.remote.s32 $0x1  }
0xbe: {  	_ =	sfence.sel $0xFFFF  }
0xbf: {  	[dreg:$0x0] =	wrdreg $0xFFFFFFFF;
	(pc) =	sbr.abs _section_cstart, $3  }
0xc0: {  	[dreg:$0x1] =	wrdreg $0xFFFFFFFF  }
0xc1: {  	_ =	task.clear_ibuf [dreg:s7], $0x2FFFF;
	_ =	strace $0x9FFFFFFF  }
0xc2: {  	(tm) =	ssettm $0x7FFFFFFF  }
0xc3: {  	_ =	shalt  }
tec
execute0_lowered:
.L_overlay_start_1:
0x0: {  	(tag) =	ssettag $0x1  }
0x1: {  	s0 =	stileid.u32  }
0x2: {  	s1 =	srdreg.scid;
	s2 =	ssub.s32 $0x8, s0  }
0x3: {  	s5 =	sand.u32 $0x1, s1;
	p0 =	sgt.s32 s2, $0x0  }
0x4: {  	s1 =	ssub.s32 $0x2, s5;
	s2 =	simm.s32 @!p0 $0x0  }
0x5: {  	s3 =	sshrl.u32 s1, $0x1;
	s2 =	sadd.s32 $0xF, s2  }
0x6: {  	s1 =	ssub.s32 s1, s3;
	s2 =	sshrl.u32 s2, $0x4  }
0x7: {  	s2 =	smul.u32 s1, s2;
	_ =	sdelay $0x1  }
0x8: {  	p0 =	seq.s32 s2, $0x0  }
.Ltmp0:
0x9: {  	_ = 	snop;
	(pc) =	sbr.rel @p0 .LBB2_5-.Ltmp0, $4  }
0xa: {  	s4 =	rddreg [dreg:$0x0]  }
0xb: {  	s6 =	rddreg [dreg:$0x1];
	s3 =	simm.s32 $0x0  }
0xc: {  	[smem:$0x7FF] =	sst s3  }
0xd: {  	s1 =	rddreg [dreg:$0x2];
	_ =	strace $0x80000047  }
0xe: {  	v0 =	vimm.s32 $0xEDCBA987  }
0xf: {  	v1 =	vimm.s32 $0x65432100;
	v0 =	vunpack.c.l.s4.s8 v0  }
0x10: {  	s7 =	sshll.u32 s0, $0x5;
	s8 =	sshll.u32 s0, $0xA;
	s5 =	sshll.u32 s5, $0x4;
	v1 =	vunpack.c.l.s4.s8 v1  }
0x11: {  	s6 =	sadd.s32 $0x600, s6;
	s9 =	simm.s32 $0x1000;
	s7 =	sand.u32 $0x60, s7;
	v0 =	vunpack.c.0.s8.s32 v0  }
0x12: {  	s10 =	simm.s32 $0x0;
	s8 =	sand.u32 $0x3000, s8;
	s5 =	sor.u32 s5, s7;
	v1 =	vunpack.c.0.s8.s32 v1  }
0x13: {  	vm0 =	vmmov $0x1;
	v3 =	vimm.s32 $0xF;
	s7 =	simm.s32 $0x400;
	s5 =	sor.u32 s8, s5;
	s8 =	simm.s32 $0x1;
	v2 =	vand.u32 $0xF, v0  }
0x14: {  	s4 =	sadd.s32 s4, s5;
	s5 =	sadd.s32 s6, s5;
	s6 =	simm.s32 $0x80;
	v0 =	vimm.s32 $0xFFFFFFFF;
	v1 =	vcombine.low v1, v2;
	v2 =	vimm.s32 $0x0  }
.LBB2_2:
0x15: {  	[tilespmem:s3], [sflag:$0x1] =	stream.strided.gather [hbm4b:s4+s6], $0x1000, s7, s6, $0x38;
	[tilespmem:$0x2000] =	vst v63  }
0x16: {  	_ =	swait.ge [sflag:s8], $0x1000  }
0x17: {  	s11 =	simm.s32 $0xFFFFFFF8;
	[sflag:s8] =	ssyncset.done $0x0  }
0x18: {  	s12 =	simm.s32 $0x1040;
	s13 =	simm.s32 $0x40;
	v5 =	vimm.s32 $0xFFFFFFFF;
	v4 =	vimm.s32 $0x0;
	[sflag:s8] =	ssyncadd.s32 $0xFFFFF000  }
.LBB2_3:
0x19: {  	[tilespmem:s12+$0xFFFFFFC0] =	vst v0  }
0x1a: {  	v6 =	vld [tilespmem:s13+$0xFFFFFFC0];
	_ =	sdelay $0x4  }
0x1b: {  	v7 =	vperm.xlane v6, v1;
	_ =	sdelay $0x1  }
0x1c: {  	v5 =	vsel vm0, v5, v7  }
0x1d: {  	vm1 =	vne.s32 v6, $0x1FF;
	vm2 =	vne.s32 v6, v5  }
0x1e: {  	vm1 =	vmand vm1, vm2  }
0x1f: {  	v5 =	vsel vm1, $0x1, v2  }
0x20: {  	(xrf0) =	vadd.scan.msk.s32 $0xffff, v5;
	_ =	sdelay $0x5  }
0x21: {  	v5, _, _ =	vpop (xrf0)  }
0x22: {  	v5 =	vadd.s32 v5, v4  }
0x23: {  	v5 =	vadd.s32 $0xFFFFFFFF, v5;
	_ =	sdelay $0x4  }
0x24: {  	[tilespmem:v5+s9+$0x0] =	vst.idx.msk vm1, v6  }
0x25: {  	[tilespmem:s12+$0xFFFFFFD0] =	vst v0  }
0x26: {  	v5 =	vld [tilespmem:s13+$0xFFFFFFD0];
	_ =	sdelay $0x4  }
0x27: {  	v6 =	vperm.xlane v6, v3;
	v7 =	vperm.xlane v5, v1;
	_ =	sdelay $0x1  }
0x28: {  	v6 =	vsel vm0, v6, v7  }
0x29: {  	vm2 =	vne.s32 v5, $0x1FF;
	vm3 =	vne.s32 v5, v6  }
0x2a: {  	vm2 =	vmand vm2, vm3  }
0x2b: {  	v6 =	vsel vm2, $0x1, v2  }
0x2c: {  	(xrf0) =	vadd.scan.msk.s32 $0xffff, v6;
	_ =	sdelay $0x1  }
0x2d: {  	v6 =	vmpcnt.ones.xlane vm1;
	_ =	sdelay $0x3  }
0x2e: {  	v4 =	vadd.s32 v4, v6;
	v6, _, _ =	vpop (xrf0)  }
0x2f: {  	v6 =	vadd.s32 v6, v4  }
0x30: {  	v6 =	vadd.s32 $0xFFFFFFFF, v6;
	_ =	sdelay $0x4  }
0x31: {  	[tilespmem:v6+s9+$0x0] =	vst.idx.msk vm2, v5  }
0x32: {  	[tilespmem:s12+$0xFFFFFFE0] =	vst v0  }
0x33: {  	v6 =	vld [tilespmem:s13+$0xFFFFFFE0];
	_ =	sdelay $0x4  }
0x34: {  	v5 =	vperm.xlane v5, v3;
	v7 =	vperm.xlane v6, v1;
	_ =	sdelay $0x1  }
0x35: {  	v5 =	vsel vm0, v5, v7  }
0x36: {  	vm1 =	vne.s32 v6, $0x1FF;
	vm3 =	vne.s32 v6, v5  }
0x37: {  	vm1 =	vmand vm1, vm3  }
0x38: {  	v5 =	vsel vm1, $0x1, v2  }
0x39: {  	(xrf0) =	vadd.scan.msk.s32 $0xffff, v5;
	_ =	sdelay $0x1  }
0x3a: {  	v5 =	vmpcnt.ones.xlane vm2;
	_ =	sdelay $0x3  }
0x3b: {  	v4 =	vadd.s32 v4, v5;
	v5, _, _ =	vpop (xrf0)  }
0x3c: {  	v5 =	vadd.s32 v5, v4  }
0x3d: {  	v5 =	vadd.s32 $0xFFFFFFFF, v5;
	_ =	sdelay $0x4  }
0x3e: {  	[tilespmem:v5+s9+$0x0] =	vst.idx.msk vm1, v6  }
0x3f: {  	[tilespmem:s12+$0xFFFFFFF0] =	vst v0  }
0x40: {  	v5 =	vld [tilespmem:s13+$0xFFFFFFF0];
	_ =	sdelay $0x4  }
0x41: {  	v6 =	vperm.xlane v6, v3;
	v7 =	vperm.xlane v5, v1;
	_ =	sdelay $0x1  }
0x42: {  	v6 =	vsel vm0, v6, v7  }
0x43: {  	vm2 =	vne.s32 v5, $0x1FF;
	vm3 =	vne.s32 v5, v6  }
0x44: {  	vm2 =	vmand vm2, vm3  }
0x45: {  	v6 =	vsel vm2, $0x1, v2  }
0x46: {  	(xrf0) =	vadd.scan.msk.s32 $0xffff, v6;
	_ =	sdelay $0x1  }
0x47: {  	v6 =	vmpcnt.ones.xlane vm1;
	_ =	sdelay $0x3  }
0x48: {  	v4 =	vadd.s32 v4, v6;
	v6, _, _ =	vpop (xrf0)  }
0x49: {  	v6 =	vadd.s32 v6, v4  }
0x4a: {  	v6 =	vadd.s32 $0xFFFFFFFF, v6;
	_ =	sdelay $0x4  }
0x4b: {  	[tilespmem:v6+s9+$0x0] =	vst.idx.msk vm2, v5  }
0x4c: {  	[tilespmem:s12+$0x0] =	vst v0  }
0x4d: {  	v6 =	vld [tilespmem:s13+$0x0];
	_ =	sdelay $0x4  }
0x4e: {  	v5 =	vperm.xlane v5, v3;
	v7 =	vperm.xlane v6, v1;
	_ =	sdelay $0x1  }
0x4f: {  	v5 =	vsel vm0, v5, v7  }
0x50: {  	vm1 =	vne.s32 v6, $0x1FF;
	vm3 =	vne.s32 v6, v5  }
0x51: {  	vm1 =	vmand vm1, vm3  }
0x52: {  	v5 =	vsel vm1, $0x1, v2  }
0x53: {  	(xrf0) =	vadd.scan.msk.s32 $0xffff, v5;
	_ =	sdelay $0x1  }
0x54: {  	v5 =	vmpcnt.ones.xlane vm2;
	_ =	sdelay $0x3  }
0x55: {  	v4 =	vadd.s32 v4, v5;
	v5, _, _ =	vpop (xrf0)  }
0x56: {  	v5 =	vadd.s32 v5, v4  }
0x57: {  	v5 =	vadd.s32 $0xFFFFFFFF, v5;
	_ =	sdelay $0x4  }
0x58: {  	[tilespmem:v5+s9+$0x0] =	vst.idx.msk vm1, v6  }
0x59: {  	[tilespmem:s12+$0x10] =	vst v0  }
0x5a: {  	v5 =	vld [tilespmem:s13+$0x10];
	_ =	sdelay $0x4  }
0x5b: {  	v6 =	vperm.xlane v6, v3;
	v7 =	vperm.xlane v5, v1;
	_ =	sdelay $0x1  }
0x5c: {  	v6 =	vsel vm0, v6, v7  }
0x5d: {  	vm2 =	vne.s32 v5, $0x1FF;
	vm3 =	vne.s32 v5, v6  }
0x5e: {  	vm2 =	vmand vm2, vm3  }
0x5f: {  	v6 =	vsel vm2, $0x1, v2  }
0x60: {  	(xrf0) =	vadd.scan.msk.s32 $0xffff, v6;
	_ =	sdelay $0x1  }
0x61: {  	v6 =	vmpcnt.ones.xlane vm1;
	_ =	sdelay $0x3  }
0x62: {  	v4 =	vadd.s32 v4, v6;
	v6, _, _ =	vpop (xrf0)  }
0x63: {  	v6 =	vadd.s32 v6, v4  }
0x64: {  	v6 =	vadd.s32 $0xFFFFFFFF, v6;
	_ =	sdelay $0x4  }
0x65: {  	[tilespmem:v6+s9+$0x0] =	vst.idx.msk vm2, v5  }
0x66: {  	[tilespmem:s12+$0x20] =	vst v0  }
0x67: {  	v6 =	vld [tilespmem:s13+$0x20];
	_ =	sdelay $0x4  }
0x68: {  	v5 =	vperm.xlane v5, v3;
	v7 =	vperm.xlane v6, v1;
	_ =	sdelay $0x1  }
0x69: {  	v5 =	vsel vm0, v5, v7  }
0x6a: {  	vm1 =	vne.s32 v6, $0x1FF;
	vm3 =	vne.s32 v6, v5  }
0x6b: {  	vm1 =	vmand vm1, vm3  }
0x6c: {  	v5 =	vsel vm1, $0x1, v2  }
0x6d: {  	(xrf0) =	vadd.scan.msk.s32 $0xffff, v5;
	_ =	sdelay $0x1  }
0x6e: {  	v5 =	vmpcnt.ones.xlane vm2;
	_ =	sdelay $0x3  }
0x6f: {  	v4 =	vadd.s32 v4, v5;
	v5, _, _ =	vpop (xrf0)  }
0x70: {  	v5 =	vadd.s32 v5, v4  }
0x71: {  	v5 =	vadd.s32 $0xFFFFFFFF, v5;
	_ =	sdelay $0x4  }
0x72: {  	[tilespmem:v5+s9+$0x0] =	vst.idx.msk vm1, v6  }
0x73: {  	[tilespmem:s12+$0x30] =	vst v0  }
0x74: {  	v5 =	vld [tilespmem:s13+$0x30];
	_ =	sdelay $0x4  }
0x75: {  	v6 =	vperm.xlane v6, v3;
	v7 =	vperm.xlane v5, v1;
	_ =	sdelay $0x1  }
0x76: {  	v6 =	vsel vm0, v6, v7  }
0x77: {  	vm2 =	vne.s32 v5, $0x1FF;
	vm3 =	vne.s32 v5, v6  }
0x78: {  	vm2 =	vmand vm2, vm3  }
0x79: {  	v6 =	vsel vm2, $0x1, v2  }
0x7a: {  	(xrf0) =	vadd.scan.msk.s32 $0xffff, v6;
	_ =	sdelay $0x1  }
0x7b: {  	v6 =	vmpcnt.ones.xlane vm1;
	_ =	sdelay $0x3  }
0x7c: {  	v4 =	vadd.s32 v4, v6;
	v6, _, _ =	vpop (xrf0)  }
0x7d: {  	s11 =	sadd.s32 $0x8, s11;
	v6 =	vadd.s32 v6, v4  }
0x7e: {  	p0 =	slt.u32 s11, $0xF8;
	v6 =	vadd.s32 $0xFFFFFFFF, v6  }
.Ltmp1:
0x7f: {  	_ = 	snop;
	(pc) =	sbr.rel @p0 .LBB2_3-.Ltmp1, $3  }
0x80: {  	_ = 	snop  }
0x81: {  	v7 =	vmpcnt.ones.xlane vm2;
	_ =	sdelay $0x1  }
0x82: {  	s12 =	sadd.s32 $0x80, s12;
	s13 =	sadd.s32 $0x80, s13;
	v4 =	vadd.s32 v4, v7;
	[tilespmem:v6+s9+$0x0] =	vst.idx.msk vm2, v5;
	v5 =	vperm.xlane v5, v3  }
0x83: {  	s10 =	sadd.s32 $0x1, s10  }
0x84: {  	p0 =	sne.s32 s10, s2  }
.Ltmp2:
0x85: {  	_ = 	snop;
	(pc) =	sbr.rel @p0 .LBB2_2-.Ltmp2, $4  }
0x86: {  	[hbm4b:s5+s6] =	stream.strided.scatter [tilespmem:s9], [sflag:$0x1], $0x1000, s7, s6, $0x38;
	[tilespmem:$0x2000] =	vst v63  }
0x87: {  	_ =	swait.ge [sflag:s8], $0x1000  }
0x88: {  	[sflag:s8] =	ssyncset.done $0x0  }
0x89: {  	[sflag:s8] =	ssyncadd.s32 $0xFFFFF000  }
.LBB2_5:
0x8a: {  	_ =	sfence.sel $0x180000  }
0x8b: {  	[bflag:$0x0] =	sbarrier.arrive $0xFFFF  }
0x8c: {  	p0 =	sne.s32 s0, $0x0;
	_ =	strace $0x90000047  }
0x8d: {  	s0 =	sadd.s32 @!p0 $0x100000, s1;
	[bflag:$0x2] =	sbarrier.arrive $0xFFFF  }
0x8e: {  	[sflag:s0] =	ssyncadd.tile.s32 @!p0 $0x1;
	_ =	shalt  }
.Lfunc_end2:
_tile_overlayer_lowered:
.L_overlay_start_2:
0x8f: {  	(tag) =	ssettag $0x2  }
0x90: {  	s0 =	rddreg [dreg:$0x0];
	s2 =	stileid.u32  }
0x91: {  	s1 =	rddreg [dreg:$0x1];
	p0 =	sne.s32 s2, $0x0  }
0x92: {  	s3 =	rddreg [dreg:$0x2];
	[bflag:$0x3] =	sbarrier.arrive $0xFFFF;
	s2 =	simm.s32 @!p0 $0x1C01  }
0x93: {  	[timem:s3], [sflag:s2] =	dma.local @!p0 [hbm:s0], s1  }
0x94: {  	s0 =	simm.s32 @!p0 $0x1  }
0x95: {  	_ =	swait.ge @!p0 [sflag:s0], s1  }
0x96: {  	s1 =	ssub.s32 @!p0 $0x0, s1;
	[sflag:s0] =	ssyncset.done @!p0 $0x0  }
0x97: {  	[sflag:s0] =	ssyncadd.s32 @!p0 s1  }
0x98: {  	[bflag:$0x3] =	sbarrier.arrive $0xFFFF  }
0x99: {  	_ =	shalt  }

</sc_bundles>
